<compile_context>
chip_gen: v7x
topology: tpu7x:2x2x1
jax: 0.10.2.dev20260603
libtpu: 0.0.44.dev20260713+nightly
codegen_flags: <defaults>
</compile_context>

<pallas_src>
import dataclasses
import functools

import jax
import jax.numpy as jnp
from jax import lax
from jax.experimental import pallas as pl
from jax.experimental.pallas import tpu as pltpu
from jax.experimental.pallas import tpu_sc as plsc

N = 10000
E = 320000
EMB = 128
HID = 128
B = 64

NC = 2
NS = 16
NW = NC * NS
LANES = 16

NPAD = 10240
ROWS_PER_SUB = NPAD // NS
CH = 128
CHUNKS = 80
BLK = 10
EPW = CH * CHUNKS
EPAD = EPW * NW
SCHUNKS = 160
BLK0 = 12
BLK1 = 4

XPW = NPAD // NW
XCH = 64
XCHUNKS = XPW // XCH


def _sc_params():
  cp = pltpu.CompilerParams()
  if "needs_layout_passes" in pltpu.CompilerParams.__dataclass_fields__:
    cp = dataclasses.replace(cp, needs_layout_passes=False)
  return cp


@functools.cache
def _vmesh():
  return plsc.VectorSubcoreMesh(
      core_axis_name="c", subcore_axis_name="s", num_cores=NC, num_subcores=NS)


def _emb_deg_body(emb_hbm, idx_hbm, dst_hbm, out_hbm, deg_hbm,
                  idx_v, rows_v, dst_w, deg_v, sem):
  cid = lax.axis_index("c")
  sid = lax.axis_index("s")
  wid = cid * NS + sid
  zeros16 = jnp.zeros((LANES,), jnp.float32)
  ones16 = jnp.ones((LANES,), jnp.float32)

  pltpu.sync_copy(idx_hbm.at[cid, sid], idx_v)

  @pl.loop(0, XCHUNKS)
  def _(j):
    pltpu.async_copy(emb_hbm.at[idx_v.at[j]], rows_v, sem).wait()
    pltpu.sync_copy(rows_v, out_hbm.at[pl.ds(wid * XPW + j * XCH, XCH)])

  @pl.loop(0, NPAD, step=LANES)
  def _(i):
    deg_v[pl.ds(i, LANES)] = zeros16

  pltpu.sync_copy(dst_hbm.at[cid, sid], dst_w)

  @pl.loop(0, CHUNKS)
  def _(j):
    for t in range(CH // LANES):
      idx16 = dst_w[j, pl.ds(t * LANES, LANES)]
      plsc.addupdate_scatter(deg_v, [idx16], ones16)

  pltpu.sync_copy(deg_v, deg_hbm.at[wid])


@jax.jit
def _emb_deg(emb, idx4, dst4):
  k = pl.kernel(
      _emb_deg_body,
      out_type=(jax.ShapeDtypeStruct((NPAD, EMB), jnp.float32),
                jax.ShapeDtypeStruct((NW, NPAD), jnp.float32)),
      mesh=_vmesh(),
      scratch_types=[
          pltpu.VMEM((XCHUNKS, XCH), jnp.int32),
          pltpu.VMEM((XCH, EMB), jnp.float32),
          pltpu.VMEM((CHUNKS, CH), jnp.int32),
          pltpu.VMEM((NPAD,), jnp.float32),
          pltpu.SemaphoreType.DMA,
      ],
      compiler_params=_sc_params(),
  )
  return k(emb, idx4, dst4)


def _edge_agg_body(m_hbm, e_hbm, part_hbm,
                   idx_a, idx_b, buf0, buf1, acc, sem_a, sem_b, sem0, sem1):
  cid = lax.axis_index("c")
  sid = lax.axis_index("s")
  zeros16 = jnp.zeros((LANES,), jnp.float32)

  @pl.loop(0, CH)
  def _(i):
    for cc in range(EMB // LANES):
      buf0[i, pl.ds(cc * LANES, LANES)] = zeros16

  @pl.loop(0, ROWS_PER_SUB, step=CH)
  def _(rr):
    pltpu.sync_copy(buf0, acc.at[pl.ds(sid * ROWS_PER_SUB + rr, CH)])

  plsc.subcore_barrier()

  mc = m_hbm.at[cid]

  def fire_idx(b, ibuf, sem):
    pltpu.async_copy(e_hbm.at[sid, pl.ds(b * BLK, BLK)], ibuf, sem)

  def wait_idx(b, ibuf, sem):
    pltpu.make_async_copy(e_hbm.at[sid, pl.ds(b * BLK, BLK)], ibuf,
                          sem).wait()

  def fire(ibuf, j, buf, sem):
    pltpu.async_copy(mc.at[ibuf.at[j, 0]], buf, sem)

  def drain_scatter(ibuf, j, buf, sem):
    pltpu.make_async_copy(mc.at[ibuf.at[j, 0]], buf, sem).wait()
    pltpu.sync_copy(buf, acc.at[ibuf.at[j, 1]], add=True)

  def process_block(ibuf):
    fire(ibuf, 0, buf0, sem0)

    @pl.loop(0, BLK // 2)
    def _(t):
      j = t * 2
      fire(ibuf, j + 1, buf1, sem1)
      drain_scatter(ibuf, j, buf0, sem0)

      @pl.when(j + 2 < BLK)
      def _():
        fire(ibuf, j + 2, buf0, sem0)

      drain_scatter(ibuf, j + 1, buf1, sem1)

  def run_pipeline(base, nblk):
    fire_idx(base, idx_a, sem_a)

    @pl.loop(0, nblk // 2)
    def _(bb):
      b = base + bb * 2
      fire_idx(b + 1, idx_b, sem_b)
      wait_idx(b, idx_a, sem_a)
      process_block(idx_a)

      @pl.when(bb < nblk // 2 - 1)
      def _():
        fire_idx(b + 2, idx_a, sem_a)

      wait_idx(b + 1, idx_b, sem_b)
      process_block(idx_b)

  @pl.when(cid == 0)
  def _():
    run_pipeline(0, BLK0)

  @pl.when(cid == 1)
  def _():
    run_pipeline(BLK0, BLK1)

  plsc.subcore_barrier()

  pltpu.sync_copy(
      acc.at[pl.ds(sid * ROWS_PER_SUB, ROWS_PER_SUB)],
      part_hbm.at[cid, pl.ds(sid * ROWS_PER_SUB, ROWS_PER_SUB)])


@jax.jit
def _edge_agg(m2, e5):
  k = pl.kernel(
      _edge_agg_body,
      out_type=jax.ShapeDtypeStruct((NC, NPAD, EMB), jnp.float32),
      mesh=_vmesh(),
      scratch_types=[
          pltpu.VMEM((BLK, 2, CH), jnp.int32),
          pltpu.VMEM((BLK, 2, CH), jnp.int32),
          pltpu.VMEM((CH, EMB), jnp.float32),
          pltpu.VMEM((CH, EMB), jnp.float32),
          pltpu.VMEM_SHARED((NPAD, EMB), jnp.float32),
          pltpu.SemaphoreType.DMA,
          pltpu.SemaphoreType.DMA,
          pltpu.SemaphoreType.DMA,
          pltpu.SemaphoreType.DMA,
      ],
      compiler_params=_sc_params(),
  )
  return k(m2, e5)


def _ln(h, g, b):
  mu = jnp.mean(h, axis=-1, keepdims=True)
  var = jnp.mean((h - mu) ** 2, axis=-1, keepdims=True)
  return (h - mu) / jnp.sqrt(var + 1e-5) * g + b


def _tc_a_body(h_ref, g_ref, b_ref, hl_ref):
  hl = _ln(h_ref[...], g_ref[...], b_ref[...])
  hl_ref[...] = jnp.stack([hl, hl])


@jax.jit
def _tc_a(h, g, b):
  return pl.pallas_call(
      _tc_a_body,
      out_shape=jax.ShapeDtypeStruct((NC, NPAD, HID), jnp.float32),
  )(h, g, b)


def _sage_out(part, recip, hl, wl, bl, wr):
  agg = (part[0] + part[1]) * recip
  out = (jnp.dot(agg, wl, preferred_element_type=jnp.float32) + bl
         + jnp.dot(hl, wr, preferred_element_type=jnp.float32))
  return jax.nn.relu(out)


def _tc_b_body(part_ref, degp_ref, hl_ref, wl_ref, bl_ref, wr_ref,
               g_ref, b_ref, hln_ref, recip_ref):
  deg = jnp.sum(degp_ref[...], axis=0)
  recip = 1.0 / jnp.maximum(deg, 1.0)
  recip_ref[...] = recip[:, None]
  h = _sage_out(part_ref[...], recip[:, None], hl_ref[...][0], wl_ref[...],
                bl_ref[...], wr_ref[...])
  hln = _ln(h, g_ref[...], b_ref[...])
  hln_ref[...] = jnp.stack([hln, hln])


@jax.jit
def _tc_b(part, degp, hl, wl, bl, wr, g, b):
  return pl.pallas_call(
      _tc_b_body,
      out_shape=(jax.ShapeDtypeStruct((NC, NPAD, HID), jnp.float32),
                 jax.ShapeDtypeStruct((NPAD, 1), jnp.float32)),
  )(part, degp, hl, wl, bl, wr, g, b)


def _tc_c_body(part_ref, recip_ref, hl_ref, wl_ref, bl_ref, wr_ref,
               batch_ref, w1_ref, b1_ref, w2_ref, b2_ref, out_ref):
  h = _sage_out(part_ref[...], recip_ref[...], hl_ref[...][0], wl_ref[...],
                bl_ref[...], wr_ref[...])
  seg = lax.broadcasted_iota(jnp.int32, (B, NPAD), 0)
  onehot = (seg == batch_ref[...]).astype(jnp.float32)
  s = jnp.dot(onehot, h, preferred_element_type=jnp.float32,
              precision=lax.Precision.HIGHEST)
  cnt = jnp.sum(onehot, axis=1)
  gm = s / jnp.maximum(cnt, 1.0)[:, None]
  z = jax.nn.relu(jnp.dot(gm, w1_ref[...],
                          preferred_element_type=jnp.float32) + b1_ref[...])
  out_ref[...] = jnp.dot(z, w2_ref[...],
                         preferred_element_type=jnp.float32) + b2_ref[...]


@jax.jit
def _tc_c(part, recip, hl, wl, bl, wr, batch2, w1, b1, w2, b2):
  return pl.pallas_call(
      _tc_c_body,
      out_shape=jax.ShapeDtypeStruct((B, 2), jnp.float32),
  )(part, recip, hl, wl, bl, wr, batch2, w1, b1, w2, b2)


def kernel(x, edge_index, batch, emb, ln0_g, ln0_b, Wl0, bl0, Wr0,
           ln1_g, ln1_b, Wl1, bl1, Wr1, W1, b1, W2, b2):
  x_pad = jnp.pad(x.astype(jnp.int32), (0, NPAD - N)).reshape(
      NC, NS, XCHUNKS, XCH)
  src = edge_index[0].astype(jnp.int32)
  dst = edge_index[1].astype(jnp.int32)
  pad_e = EPAD - E
  src_pad = jnp.pad(src, (0, pad_e))
  dst_fill = N + jnp.arange(pad_e, dtype=jnp.int32) % (NPAD - N)
  dst_pad = jnp.concatenate([dst, dst_fill])
  dst4 = dst_pad.reshape(NC, NS, CHUNKS, CH)
  e5 = jnp.stack([src_pad.reshape(NS, SCHUNKS, CH),
                  dst_pad.reshape(NS, SCHUNKS, CH)],
                 axis=2)
  batch_pad = jnp.pad(batch.astype(jnp.int32), (0, NPAD - N),
                      constant_values=B).reshape(1, NPAD)

  h0, degp = _emb_deg(emb, x_pad, dst4)
  hl0 = _tc_a(h0, ln0_g, ln0_b)
  part0 = _edge_agg(hl0, e5)
  hl1, recip = _tc_b(part0, degp, hl0, Wl0, bl0, Wr0, ln1_g, ln1_b)
  part1 = _edge_agg(hl1, e5)
  return _tc_c(part1, recip, hl1, Wl1, bl1, Wr1, batch_pad, W1, b1, W2, b2)

# --- scband reference (transcript-rebuilt; emitter-appended) ---
"""Pipeline reference for scband-graph-sage-46626164965917 (READ-ONLY COPY).

The authoritative reference and input builder live on the scoring server;
editing this copy changes nothing except your own understanding.
"""

import jax, jax.numpy as jnp
import numpy as np

N = 10000
E = 320000
VOCAB = 100000
EMB = 128
HID = 128
B = 64


def setup_inputs(seed: int = 0) -> dict:
    key = jax.random.key(seed)
    ks = jax.random.split(key, 24)
    x = jax.random.randint(ks[0], (N,), 0, VOCAB, dtype=jnp.int64 if jax.config.jax_enable_x64 else jnp.int32)
    edge_index = jax.random.randint(ks[1], (2, E), 0, N, dtype=jnp.int64 if jax.config.jax_enable_x64 else jnp.int32)
    batch = jnp.sort(jax.random.randint(ks[2], (N,), 0, B, dtype=jnp.int64 if jax.config.jax_enable_x64 else jnp.int32))
    emb = jax.random.normal(ks[3], (VOCAB, EMB), jnp.float32) * 0.02
    emb = emb.at[0].set(0.0)  # padding_idx=0
    ln0_g = jnp.ones((EMB,), jnp.float32)
    ln0_b = jnp.zeros((EMB,), jnp.float32)
    Wl0 = jax.random.normal(ks[4], (EMB, HID), jnp.float32) * (1.0 / np.sqrt(EMB))
    bl0 = jnp.zeros((HID,), jnp.float32)
    Wr0 = jax.random.normal(ks[5], (EMB, HID), jnp.float32) * (1.0 / np.sqrt(EMB))
    ln1_g = jnp.ones((HID,), jnp.float32)
    ln1_b = jnp.zeros((HID,), jnp.float32)
    Wl1 = jax.random.normal(ks[6], (HID, HID), jnp.float32) * (1.0 / np.sqrt(HID))
    bl1 = jnp.zeros((HID,), jnp.float32)
    Wr1 = jax.random.normal(ks[7], (HID, HID), jnp.float32) * (1.0 / np.sqrt(HID))
    W1 = jax.random.normal(ks[8], (HID, HID // 2), jnp.float32) * (1.0 / np.sqrt(HID))
    b1 = jnp.zeros((HID // 2,), jnp.float32)
    W2 = jax.random.normal(ks[9], (HID // 2, 2), jnp.float32) * (1.0 / np.sqrt(HID // 2))
    b2 = jnp.zeros((2,), jnp.float32)
    return {"x": x, "edge_index": edge_index, "batch": batch, "emb": emb,
            "ln0_g": ln0_g, "ln0_b": ln0_b, "Wl0": Wl0, "bl0": bl0, "Wr0": Wr0,
            "ln1_g": ln1_g, "ln1_b": ln1_b, "Wl1": Wl1, "bl1": bl1, "Wr1": Wr1,
            "W1": W1, "b1": b1, "W2": W2, "b2": b2}


def _layer_norm(h, g, b, eps=1e-5):
    mu = jnp.mean(h, axis=-1, keepdims=True)
    var = jnp.mean((h - mu) ** 2, axis=-1, keepdims=True)
    return (h - mu) / jnp.sqrt(var + eps) * g + b


def _sage_conv(h, src, dst, Wl, bl, Wr):
    # PyG SAGEConv (mean aggr): out = lin_l(mean_{j in N(i)} x_j) + lin_r(x_i)
    msg = jnp.take(h, src, axis=0)
    agg = jax.ops.segment_sum(msg, dst, num_segments=N)
    deg = jax.ops.segment_sum(jnp.ones((E,), jnp.float32), dst, num_segments=N)
    agg = agg / jnp.clip(deg, 1.0, None)[:, None]
    return agg @ Wl + bl + h @ Wr


def reference(x, edge_index, batch, emb, ln0_g, ln0_b, Wl0, bl0, Wr0,
              ln1_g, ln1_b, Wl1, bl1, Wr1, W1, b1, W2, b2):
    src = edge_index[0]
    dst = edge_index[1]
    h = jnp.take(emb, x, axis=0)                     # embedding lookup [N, EMB]
    # layer 0
    h = _layer_norm(h, ln0_g, ln0_b)
    h = _sage_conv(h, src, dst, Wl0, bl0, Wr0)
    h = jax.nn.relu(h)
    # (dropout skipped: eval mode)
    # layer 1
    h = _layer_norm(h, ln1_g, ln1_b)
    h = _sage_conv(h, src, dst, Wl1, bl1, Wr1)
    h = jax.nn.relu(h)
    # global mean pool per graph
    s = jax.ops.segment_sum(h, batch, num_segments=B)
    cnt = jax.ops.segment_sum(jnp.ones((N,), jnp.float32), batch, num_segments=B)
    g = s / jnp.clip(cnt, 1.0, None)[:, None]
    # mlp head
    out = jax.nn.relu(g @ W1 + b1) @ W2 + b2
    return out

if __name__ == "__main__":
    import jax
    _d = setup_inputs()
    print(jax.jit(kernel)(*tuple(_d.values())))

</pallas_src>

<mosaic_0001>
#map = affine_map<(d0, d1) -> (0, 0)>
#map1 = affine_map<(d0, d1) -> (0, 0, 0, 0)>
module attributes {stable_mosaic.version = 14 : i64} {
  func.func @_emb_deg_body(%arg0: i32, %arg1: i32, %arg2: memref<100000x128xf32, #tpu.memory_space<hbm>>, %arg3: memref<2x16x5x64xi32, #tpu.memory_space<hbm>>, %arg4: memref<2x16x80x128xi32, #tpu.memory_space<hbm>>, %arg5: memref<10240x128xf32, #tpu.memory_space<hbm>>, %arg6: memref<32x10240xf32, #tpu.memory_space<hbm>>, %arg7: memref<5x64xi32, #tpu.memory_space<vmem>>, %arg8: memref<64x128xf32, #tpu.memory_space<vmem>>, %arg9: memref<80x128xi32, #tpu.memory_space<vmem>>, %arg10: memref<10240xf32, #tpu.memory_space<vmem>>, %arg11: memref<!tpu.dma_semaphore, #tpu.memory_space<semaphore_mem>>) attributes {dimension_semantics = [#tpu.dimension_semantics<core_parallel>, #tpu.dimension_semantics<subcore_parallel>], iteration_bounds = array<i64: 2, 16>, scalar_prefetch = 0 : i64, scratch_operands = 5 : i64, tpu.core_type = #tpu.core_type<sc_vector_subcore>, window_params = [{transform_indices = #map}, {transform_indices = #map1}, {transform_indices = #map1}, {transform_indices = #map}, {transform_indices = #map}]} {
    %mul3A = arith.constant 16 : i32
    %mul3A_0 = arith.muli %arg0, %mul3A : i32
    %add3A = arith.addi %mul3A_0, %arg1 : i32
    %broadcast_in_dim3A = arith.constant 0.000000e+00 : f32
    %broadcast_in_dim3A_1 = vector.broadcast %broadcast_in_dim3A : f32 to vector<16xf32>
    %broadcast_in_dim3A_2 = arith.constant 1.000000e+00 : f32
    %broadcast_in_dim3A_3 = vector.broadcast %broadcast_in_dim3A_2 : f32 to vector<16xf32>
    "tpu.region"() ({
      %run_scoped3A = tpu.sem_alloc : memref<!tpu.dma_semaphore, #tpu.memory_space<semaphore_mem>>
      %dma_start3A = arith.constant 0 : i32
      %dma_start3A_18 = arith.constant 0 : i32
      %dma_start3A_19 = tpu.memref_slice %arg3[%arg0, %arg1, %dma_start3A, %dma_start3A_18] : memref<2x16x5x64xi32, #tpu.memory_space<hbm>> -> memref<1x1x5x64xi32, #tpu.memory_space<hbm>>
      %dma_start3A_20 = tpu.memref_squeeze %dma_start3A_19 : memref<1x1x5x64xi32, #tpu.memory_space<hbm>> -> memref<5x64xi32, #tpu.memory_space<hbm>>
      %dma_start3A_21 = arith.constant 0 : i32
      %dma_start3A_22 = arith.constant 0 : i32
      %dma_start3A_23 = tpu.memref_slice %arg3[%arg0, %arg1, %dma_start3A_21, %dma_start3A_22] : memref<2x16x5x64xi32, #tpu.memory_space<hbm>> -> memref<1x1x5x64xi32, #tpu.memory_space<hbm>>
      %dma_start3A_24 = tpu.memref_squeeze %dma_start3A_23 : memref<1x1x5x64xi32, #tpu.memory_space<hbm>> -> memref<5x64xi32, #tpu.memory_space<hbm>>
      tpu.enqueue_dma source(%dma_start3A_24 : memref<5x64xi32, #tpu.memory_space<hbm>>) target(%arg7 : memref<5x64xi32, #tpu.memory_space<vmem>>) target_semaphore(%run_scoped3A : memref<!tpu.dma_semaphore, #tpu.memory_space<semaphore_mem>>)
      %dma_wait3A = arith.constant 0 : i32
      %dma_wait3A_25 = arith.constant 0 : i32
      %dma_wait3A_26 = tpu.memref_slice %arg3[%arg0, %arg1, %dma_wait3A, %dma_wait3A_25] : memref<2x16x5x64xi32, #tpu.memory_space<hbm>> -> memref<1x1x5x64xi32, #tpu.memory_space<hbm>>
      %dma_wait3A_27 = tpu.memref_squeeze %dma_wait3A_26 : memref<1x1x5x64xi32, #tpu.memory_space<hbm>> -> memref<5x64xi32, #tpu.memory_space<hbm>>
      %dma_wait3A_28 = arith.constant 0 : i32
      %dma_wait3A_29 = arith.constant 0 : i32
      %dma_wait3A_30 = tpu.memref_slice %arg3[%arg0, %arg1, %dma_wait3A_28, %dma_wait3A_29] : memref<2x16x5x64xi32, #tpu.memory_space<hbm>> -> memref<1x1x5x64xi32, #tpu.memory_space<hbm>>
      %dma_wait3A_31 = tpu.memref_squeeze %dma_wait3A_30 : memref<1x1x5x64xi32, #tpu.memory_space<hbm>> -> memref<5x64xi32, #tpu.memory_space<hbm>>
      tpu.wait_dma2 semaphore(%run_scoped3A : memref<!tpu.dma_semaphore, #tpu.memory_space<semaphore_mem>>) src(%dma_wait3A_31 : memref<5x64xi32, #tpu.memory_space<hbm>>) dst(%arg7 : memref<5x64xi32, #tpu.memory_space<vmem>>)
      tpu.yield
    }) : () -> ()
    %scan3A = arith.constant 0 : i32
    %scan3A_4 = arith.constant 5 : i32
    %scan3A_5 = arith.addi %scan3A, %scan3A_4 : i32
    %scan3A_6 = arith.constant 1 : i32
    scf.for %scan3A_18 = %scan3A to %scan3A_5 step %scan3A_6  : i32 {
      %mul3A_19 = arith.constant 1 : i32
      %mul3A_20 = arith.muli %scan3A_18, %mul3A_19 : i32
      %add3A_21 = arith.constant 0 : i32
      %add3A_22 = arith.addi %add3A_21, %mul3A_20 : i32
      %dma_start3A = arith.constant 0 : i32
      %dma_start3A_23 = tpu.memref_slice %arg7[%add3A_22, %dma_start3A] : memref<5x64xi32, #tpu.memory_space<vmem>> -> memref<1x64xi32, #tpu.memory_space<vmem>>
      %dma_start3A_24 = tpu.memref_squeeze %dma_start3A_23 : memref<1x64xi32, #tpu.memory_space<vmem>> -> memref<64xi32, #tpu.memory_space<vmem>>
      %dma_start3A_25 = arith.constant 0 : i32
      %dma_start3A_26 = arith.constant 0 : i32
      %dma_start3A_27 = tpu.memref_slice %arg2[%dma_start3A_25, %dma_start3A_26] : memref<100000x128xf32, #tpu.memory_space<hbm>> -> memref<100000x128xf32, #tpu.memory_space<hbm>>
      tpu.enqueue_indirect_dma source(%dma_start3A_27 : memref<100000x128xf32, #tpu.memory_space<hbm>>) target(%arg8 : memref<64x128xf32, #tpu.memory_space<vmem>>) offsets(%dma_start3A_24 : memref<64xi32, #tpu.memory_space<vmem>>) semaphore(%arg11 : memref<!tpu.dma_semaphore, #tpu.memory_space<semaphore_mem>>)
      %dma_wait3A = arith.constant 0 : i32
      %dma_wait3A_28 = tpu.memref_slice %arg7[%add3A_22, %dma_wait3A] : memref<5x64xi32, #tpu.memory_space<vmem>> -> memref<1x64xi32, #tpu.memory_space<vmem>>
      %dma_wait3A_29 = tpu.memref_squeeze %dma_wait3A_28 : memref<1x64xi32, #tpu.memory_space<vmem>> -> memref<64xi32, #tpu.memory_space<vmem>>
      %dma_wait3A_30 = arith.constant 0 : i32
      %dma_wait3A_31 = arith.constant 0 : i32
      %dma_wait3A_32 = tpu.memref_slice %arg2[%dma_wait3A_30, %dma_wait3A_31] : memref<100000x128xf32, #tpu.memory_space<hbm>> -> memref<100000x128xf32, #tpu.memory_space<hbm>>
      tpu.wait_indirect_dma semaphore(%arg11 : memref<!tpu.dma_semaphore, #tpu.memory_space<semaphore_mem>>) src(%dma_wait3A_32 : memref<100000x128xf32, #tpu.memory_space<hbm>>) dst(%arg8 : memref<64x128xf32, #tpu.memory_space<vmem>>)
      %mul3A_33 = arith.constant 320 : i32
      %mul3A_34 = arith.muli %add3A, %mul3A_33 : i32
      %mul3A_35 = arith.constant 64 : i32
      %mul3A_36 = arith.muli %add3A_22, %mul3A_35 : i32
      %add3A_37 = arith.addi %mul3A_34, %mul3A_36 : i32
      "tpu.region"() ({
        %run_scoped3A = tpu.sem_alloc : memref<!tpu.dma_semaphore, #tpu.memory_space<semaphore_mem>>
        %dma_start3A_38 = arith.constant 0 : i32
        %dma_start3A_39 = tpu.memref_slice %arg5[%add3A_37, %dma_start3A_38] : memref<10240x128xf32, #tpu.memory_space<hbm>> -> memref<64x128xf32, #tpu.memory_space<hbm>>
        %dma_start3A_40 = arith.constant 0 : i32
        %dma_start3A_41 = tpu.memref_slice %arg5[%add3A_37, %dma_start3A_40] : memref<10240x128xf32, #tpu.memory_space<hbm>> -> memref<64x128xf32, #tpu.memory_space<hbm>>
        tpu.enqueue_dma source(%arg8 : memref<64x128xf32, #tpu.memory_space<vmem>>) target(%dma_start3A_41 : memref<64x128xf32, #tpu.memory_space<hbm>>) target_semaphore(%run_scoped3A : memref<!tpu.dma_semaphore, #tpu.memory_space<semaphore_mem>>)
        %dma_wait3A_42 = arith.constant 0 : i32
        %dma_wait3A_43 = tpu.memref_slice %arg5[%add3A_37, %dma_wait3A_42] : memref<10240x128xf32, #tpu.memory_space<hbm>> -> memref<64x128xf32, #tpu.memory_space<hbm>>
        %dma_wait3A_44 = arith.constant 0 : i32
        %dma_wait3A_45 = tpu.memref_slice %arg5[%add3A_37, %dma_wait3A_44] : memref<10240x128xf32, #tpu.memory_space<hbm>> -> memref<64x128xf32, #tpu.memory_space<hbm>>
        tpu.wait_dma2 semaphore(%run_scoped3A : memref<!tpu.dma_semaphore, #tpu.memory_space<semaphore_mem>>) src(%arg8 : memref<64x128xf32, #tpu.memory_space<vmem>>) dst(%dma_wait3A_45 : memref<64x128xf32, #tpu.memory_space<hbm>>)
        tpu.yield
      }) : () -> ()
    }
    %scan3A_7 = arith.constant 5 : i32
    %scan3A_8 = arith.constant 0 : i32
    %scan3A_9 = arith.constant 640 : i32
    %scan3A_10 = arith.addi %scan3A_8, %scan3A_9 : i32
    %scan3A_11 = arith.constant 1 : i32
    scf.for %scan3A_18 = %scan3A_8 to %scan3A_10 step %scan3A_11  : i32 {
      %mul3A_19 = arith.constant 16 : i32
      %mul3A_20 = arith.muli %scan3A_18, %mul3A_19 : i32
      %add3A_21 = arith.constant 0 : i32
      %add3A_22 = arith.addi %add3A_21, %mul3A_20 : i32
      %swap3A = arith.index_cast %add3A_22 : i32 to index
      %swap3A_23 = tpu.vector_load %arg10[%swap3A] {strides = array<i32>} : memref<10240xf32, #tpu.memory_space<vmem>>, vector<16xf32>,
      tpu.vector_store %arg10[%swap3A], %broadcast_in_dim3A_1 {strides = array<i32>} : memref<10240xf32, #tpu.memory_space<vmem>>, vector<16xf32>,
    }
    %scan3A_12 = arith.constant 640 : i32
    "tpu.region"() ({
      %run_scoped3A = tpu.sem_alloc : memref<!tpu.dma_semaphore, #tpu.memory_space<semaphore_mem>>
      %dma_start3A = arith.constant 0 : i32
      %dma_start3A_18 = arith.constant 0 : i32
      %dma_start3A_19 = tpu.memref_slice %arg4[%arg0, %arg1, %dma_start3A, %dma_start3A_18] : memref<2x16x80x128xi32, #tpu.memory_space<hbm>> -> memref<1x1x80x128xi32, #tpu.memory_space<hbm>>
      %dma_start3A_20 = tpu.memref_squeeze %dma_start3A_19 : memref<1x1x80x128xi32, #tpu.memory_space<hbm>> -> memref<80x128xi32, #tpu.memory_space<hbm>>
      %dma_start3A_21 = arith.constant 0 : i32
      %dma_start3A_22 = arith.constant 0 : i32
      %dma_start3A_23 = tpu.memref_slice %arg4[%arg0, %arg1, %dma_start3A_21, %dma_start3A_22] : memref<2x16x80x128xi32, #tpu.memory_space<hbm>> -> memref<1x1x80x128xi32, #tpu.memory_space<hbm>>
      %dma_start3A_24 = tpu.memref_squeeze %dma_start3A_23 : memref<1x1x80x128xi32, #tpu.memory_space<hbm>> -> memref<80x128xi32, #tpu.memory_space<hbm>>
      tpu.enqueue_dma source(%dma_start3A_24 : memref<80x128xi32, #tpu.memory_space<hbm>>) target(%arg9 : memref<80x128xi32, #tpu.memory_space<vmem>>) target_semaphore(%run_scoped3A : memref<!tpu.dma_semaphore, #tpu.memory_space<semaphore_mem>>)
      %dma_wait3A = arith.constant 0 : i32
      %dma_wait3A_25 = arith.constant 0 : i32
      %dma_wait3A_26 = tpu.memref_slice %arg4[%arg0, %arg1, %dma_wait3A, %dma_wait3A_25] : memref<2x16x80x128xi32, #tpu.memory_space<hbm>> -> memref<1x1x80x128xi32, #tpu.memory_space<hbm>>
      %dma_wait3A_27 = tpu.memref_squeeze %dma_wait3A_26 : memref<1x1x80x128xi32, #tpu.memory_space<hbm>> -> memref<80x128xi32, #tpu.memory_space<hbm>>
      %dma_wait3A_28 = arith.constant 0 : i32
      %dma_wait3A_29 = arith.constant 0 : i32
      %dma_wait3A_30 = tpu.memref_slice %arg4[%arg0, %arg1, %dma_wait3A_28, %dma_wait3A_29] : memref<2x16x80x128xi32, #tpu.memory_space<hbm>> -> memref<1x1x80x128xi32, #tpu.memory_space<hbm>>
      %dma_wait3A_31 = tpu.memref_squeeze %dma_wait3A_30 : memref<1x1x80x128xi32, #tpu.memory_space<hbm>> -> memref<80x128xi32, #tpu.memory_space<hbm>>
      tpu.wait_dma2 semaphore(%run_scoped3A : memref<!tpu.dma_semaphore, #tpu.memory_space<semaphore_mem>>) src(%dma_wait3A_31 : memref<80x128xi32, #tpu.memory_space<hbm>>) dst(%arg9 : memref<80x128xi32, #tpu.memory_space<vmem>>)
      tpu.yield
    }) : () -> ()
    %scan3A_13 = arith.constant 0 : i32
    %scan3A_14 = arith.constant 80 : i32
    %scan3A_15 = arith.addi %scan3A_13, %scan3A_14 : i32
    %scan3A_16 = arith.constant 1 : i32
    scf.for %scan3A_18 = %scan3A_13 to %scan3A_15 step %scan3A_16  : i32 {
      %mul3A_19 = arith.constant 1 : i32
      %mul3A_20 = arith.muli %scan3A_18, %mul3A_19 : i32
      %add3A_21 = arith.constant 0 : i32
      %add3A_22 = arith.addi %add3A_21, %mul3A_20 : i32
      %get3A = arith.index_cast %add3A_22 : i32 to index
      %get3A_23 = arith.constant 0 : index
      %get3A_24 = tpu.vector_load %arg9[%get3A, %get3A_23] {strides = array<i32>} : memref<80x128xi32, #tpu.memory_space<vmem>>, vector<16xi32>,
      tpu.vector_store_idx %arg10[%get3A_24], %broadcast_in_dim3A_3 {add = true} : memref<10240xf32, #tpu.memory_space<vmem>>[vector<16xi32>], vector<16xf32>,
      %get3A_25 = arith.index_cast %add3A_22 : i32 to index
      %get3A_26 = arith.constant 16 : index
      %get3A_27 = tpu.vector_load %arg9[%get3A_25, %get3A_26] {strides = array<i32>} : memref<80x128xi32, #tpu.memory_space<vmem>>, vector<16xi32>,
      tpu.vector_store_idx %arg10[%get3A_27], %broadcast_in_dim3A_3 {add = true} : memref<10240xf32, #tpu.memory_space<vmem>>[vector<16xi32>], vector<16xf32>,
      %get3A_28 = arith.index_cast %add3A_22 : i32 to index
      %get3A_29 = arith.constant 32 : index
      %get3A_30 = tpu.vector_load %arg9[%get3A_28, %get3A_29] {strides = array<i32>} : memref<80x128xi32, #tpu.memory_space<vmem>>, vector<16xi32>,
      tpu.vector_store_idx %arg10[%get3A_30], %broadcast_in_dim3A_3 {add = true} : memref<10240xf32, #tpu.memory_space<vmem>>[vector<16xi32>], vector<16xf32>,
      %get3A_31 = arith.index_cast %add3A_22 : i32 to index
      %get3A_32 = arith.constant 48 : index
      %get3A_33 = tpu.vector_load %arg9[%get3A_31, %get3A_32] {strides = array<i32>} : memref<80x128xi32, #tpu.memory_space<vmem>>, vector<16xi32>,
      tpu.vector_store_idx %arg10[%get3A_33], %broadcast_in_dim3A_3 {add = true} : memref<10240xf32, #tpu.memory_space<vmem>>[vector<16xi32>], vector<16xf32>,
      %get3A_34 = arith.index_cast %add3A_22 : i32 to index
      %get3A_35 = arith.constant 64 : index
      %get3A_36 = tpu.vector_load %arg9[%get3A_34, %get3A_35] {strides = array<i32>} : memref<80x128xi32, #tpu.memory_space<vmem>>, vector<16xi32>,
      tpu.vector_store_idx %arg10[%get3A_36], %broadcast_in_dim3A_3 {add = true} : memref<10240xf32, #tpu.memory_space<vmem>>[vector<16xi32>], vector<16xf32>,
      %get3A_37 = arith.index_cast %add3A_22 : i32 to index
      %get3A_38 = arith.constant 80 : index
      %get3A_39 = tpu.vector_load %arg9[%get3A_37, %get3A_38] {strides = array<i32>} : memref<80x128xi32, #tpu.memory_space<vmem>>, vector<16xi32>,
      tpu.vector_store_idx %arg10[%get3A_39], %broadcast_in_dim3A_3 {add = true} : memref<10240xf32, #tpu.memory_space<vmem>>[vector<16xi32>], vector<16xf32>,
      %get3A_40 = arith.index_cast %add3A_22 : i32 to index
      %get3A_41 = arith.constant 96 : index
      %get3A_42 = tpu.vector_load %arg9[%get3A_40, %get3A_41] {strides = array<i32>} : memref<80x128xi32, #tpu.memory_space<vmem>>, vector<16xi32>,
      tpu.vector_store_idx %arg10[%get3A_42], %broadcast_in_dim3A_3 {add = true} : memref<10240xf32, #tpu.memory_space<vmem>>[vector<16xi32>], vector<16xf32>,
      %get3A_43 = arith.index_cast %add3A_22 : i32 to index
      %get3A_44 = arith.constant 112 : index
      %get3A_45 = tpu.vector_load %arg9[%get3A_43, %get3A_44] {strides = array<i32>} : memref<80x128xi32, #tpu.memory_space<vmem>>, vector<16xi32>,
      tpu.vector_store_idx %arg10[%get3A_45], %broadcast_in_dim3A_3 {add = true} : memref<10240xf32, #tpu.memory_space<vmem>>[vector<16xi32>], vector<16xf32>,
    }
    %scan3A_17 = arith.constant 80 : i32
    "tpu.region"() ({
      %run_scoped3A = tpu.sem_alloc : memref<!tpu.dma_semaphore, #tpu.memory_space<semaphore_mem>>
      %dma_start3A = arith.constant 0 : i32
      %dma_start3A_18 = tpu.memref_slice %arg6[%add3A, %dma_start3A] : memref<32x10240xf32, #tpu.memory_space<hbm>> -> memref<1x10240xf32, #tpu.memory_space<hbm>>
      %dma_start3A_19 = tpu.memref_squeeze %dma_start3A_18 : memref<1x10240xf32, #tpu.memory_space<hbm>> -> memref<10240xf32, #tpu.memory_space<hbm>>
      %dma_start3A_20 = arith.constant 0 : i32
      %dma_start3A_21 = tpu.memref_slice %arg6[%add3A, %dma_start3A_20] : memref<32x10240xf32, #tpu.memory_space<hbm>> -> memref<1x10240xf32, #tpu.memory_space<hbm>>
      %dma_start3A_22 = tpu.memref_squeeze %dma_start3A_21 : memref<1x10240xf32, #tpu.memory_space<hbm>> -> memref<10240xf32, #tpu.memory_space<hbm>>
      tpu.enqueue_dma source(%arg10 : memref<10240xf32, #tpu.memory_space<vmem>>) target(%dma_start3A_22 : memref<10240xf32, #tpu.memory_space<hbm>>) target_semaphore(%run_scoped3A : memref<!tpu.dma_semaphore, #tpu.memory_space<semaphore_mem>>)
      %dma_wait3A = arith.constant 0 : i32
      %dma_wait3A_23 = tpu.memref_slice %arg6[%add3A, %dma_wait3A] : memref<32x10240xf32, #tpu.memory_space<hbm>> -> memref<1x10240xf32, #tpu.memory_space<hbm>>
      %dma_wait3A_24 = tpu.memref_squeeze %dma_wait3A_23 : memref<1x10240xf32, #tpu.memory_space<hbm>> -> memref<10240xf32, #tpu.memory_space<hbm>>
      %dma_wait3A_25 = arith.constant 0 : i32
      %dma_wait3A_26 = tpu.memref_slice %arg6[%add3A, %dma_wait3A_25] : memref<32x10240xf32, #tpu.memory_space<hbm>> -> memref<1x10240xf32, #tpu.memory_space<hbm>>
      %dma_wait3A_27 = tpu.memref_squeeze %dma_wait3A_26 : memref<1x10240xf32, #tpu.memory_space<hbm>> -> memref<10240xf32, #tpu.memory_space<hbm>>
      tpu.wait_dma2 semaphore(%run_scoped3A : memref<!tpu.dma_semaphore, #tpu.memory_space<semaphore_mem>>) src(%arg10 : memref<10240xf32, #tpu.memory_space<vmem>>) dst(%dma_wait3A_27 : memref<10240xf32, #tpu.memory_space<hbm>>)
      tpu.yield
    }) : () -> ()
    return
  }
}

</mosaic_0001>

<sc_bundles>
// kernel: _emb_deg.3.cloned.1.call-start
scs
__scs_entry_jumppad:
0x0: {  	(pc) =	sbr.rel $0x88, $3  }
0x1: {  	(tag) =	ssettag $0x0;
	lr =	simm.s32 $0x1  }
0x2: {  	[smem:$0x3F9E] =	sst lr;
	_ =	strace $0xD0000000  }
0x3: {  	_ = 	snop  }
0x4: {  	_ = 	snop  }
0x5: {  	_ = 	snop  }
0x6: {  	_ = 	snop  }
0x7: {  	_ = 	snop  }
__scs_overlays_trampoline_lowered:
0x8: {  	[smem:$0x3FAD] =	sst s0  }
0x9: {  	[smem:$0x3FAE] =	sst s1  }
0xa: {  	[smem:$0x3FAF] =	sst s2  }
0xb: {  	[smem:$0x3FB0] =	sst s3  }
0xc: {  	[smem:$0x3FB1] =	sst s4  }
0xd: {  	[smem:$0x3FB2] =	sst s5  }
0xe: {  	[smem:$0x3FB3] =	sst s6  }
0xf: {  	[smem:$0x3FB4] =	sst s7  }
0x10: {  	[smem:$0x3FB5] =	sst s8  }
0x11: {  	[smem:$0x3FB6] =	sst s9;
	s0 =	simm.s32 @!p0 $0x0  }
0x12: {  	s1 =	sld [smem:$0x3F9C];
	s0 =	simm.s32 @p0 $0x1  }
0x13: {  	[smem:$0x3FB7] =	sst s0;
	s0 =	simm.s32 @!p1 $0x0  }
0x14: {  	s2 =	sld [smem:$0x3F9B];
	s0 =	simm.s32 @p1 $0x1  }
0x15: {  	[smem:$0x3FB8] =	sst s0;
	s0 =	simm.s32 @!p2 $0x0  }
0x16: {  	s3 =	sld [smem:$0x3FDB];
	s0 =	simm.s32 @p2 $0x1  }
0x17: {  	s4 =	simm.s32 $0x1BF5;
	[smem:$0x3FBA] =	sst s0  }
0x18: {  	s0 =	sld [smem:$0x3F9D];
	_ =	swait.ge [sflag:s4], $0x0  }
0x19: {  	s7 =	sld [smem:$0x3F9E]  }
0x1a: {  	s8 =	sadd.s32 $0xFFFFE003, lr  }
0x1b: {  	s9 =	sadd.s32 $0xFFFFFEF7, lr;
	s5 =	simm.s32 $0xFFFFFFFF;
	p2 =	slt.u32 s8, $0xFFFFF086  }
0x1c: {  	p1 =	slt.u32 s9, $0xF7A;
	s5 =	simm.s32 @!p2 $0x0  }
0x1d: {  	s5 =	simm.s32 @p1 $0x1;
	p0 =	seq.s32 s7, s2  }
0x1e: {  	s7 =	smul.u32 @!p0 $0xF7A, s2;
	p2 =	seq.s32 @!p0 s5, $0x0  }
0x1f: {  	s9 =	smul.u32 $0xF7A, s1;
	s8 =	simm.s32 @!p0 $0x1BF5;
	p2 =	por !p2, p0  }
0x20: {  	[sflag:s8] =	ssyncset.s32 @!p0 $0xFFFFF086;
	s6 =	sadd.s32 @!p0 s3, s7;
	s7 =	simm.s32 @!p0 $0x108  }
0x21: {  	s3 =	sadd.s32 s3, s9;
	s6 =	sadd.s32 @!p0 $0x88, s6;
	s7 =	simm.s32 @p2 $0x1082  }
0x22: {  	[simem:s7], [sflag:s8] =	dma.local @!p0 [hbm:s6], $0xF7A  }
0x23: {  	s9 =	sor.u32 $0xD0000000, s2;
	s6 =	simm.s32 $0x108;
	_ =	swait.ge @!p0 [sflag:s8], $0x0  }
0x24: {  	s3 =	sadd.s32 $0x88, s3;
	s6 =	simm.s32 @!p1 $0x1082;
	[sflag:s4] =	ssyncset.s32 $0xFFFFF086  }
0x25: {  	[simem:s6], [sflag:s4] =	dma.local [hbm:s3], $0xF7A  }
0x26: {  	[smem:$0x3F9E] =	sst s1;
	(tag) =	ssettag s2;
	_ =	strace s9  }
0x27: {  	s1 =	sld [smem:$0x3FAE]  }
0x28: {  	s2 =	sld [smem:$0x3FAF]  }
0x29: {  	s4 =	sld [smem:$0x3FB1]  }
0x2a: {  	p0 =	seq.s32 s5, $0x0;
	s5 =	sld [smem:$0x3FB2]  }
0x2b: {  	s6 =	sld [smem:$0x3FB3]  }
0x2c: {  	s7 =	sld [smem:$0x3FB4]  }
0x2d: {  	s3 =	simm.s32 $0x108;
	s8 =	sld [smem:$0x3FB5]  }
0x2e: {  	s3 =	simm.s32 @!p0 $0x1082;
	s9 =	sld [smem:$0x3FB6]  }
0x2f: {  	lr =	sadd.s32 s0, s3;
	s0 =	sld [smem:$0x3FAD]  }
0x30: {  	s3 =	sld [smem:$0x3FB0]  }
0x31: {  	[smem:$0x3FB9] =	sst s10  }
0x32: {  	s10 =	sld [smem:$0x3FB7];
	_ =	sdelay $0x3  }
0x33: {  	p0 =	seq.s32 s10, $0x1;
	s10 =	sld [smem:$0x3FB9];
	_ =	sdelay $0x3  }
0x34: {  	[smem:$0x3FB9] =	sst s10  }
0x35: {  	s10 =	sld [smem:$0x3FB8];
	_ =	sdelay $0x3  }
0x36: {  	p1 =	seq.s32 s10, $0x1;
	s10 =	sld [smem:$0x3FB9];
	_ =	sdelay $0x3  }
0x37: {  	[smem:$0x3FB9] =	sst s10  }
0x38: {  	s10 =	sld [smem:$0x3FBA]  }
0x39: {  	_ = 	snop;
	(pc) =	sbr.ind lr, $3  }
0x3a: {  	_ = 	snop  }
0x3b: {  	_ = 	snop  }
0x3c: {  	p2 =	seq.s32 s10, $0x1;
	s10 =	sld [smem:$0x3FB9]  }
0x3d: {  	_ =	shalt  }
0x3e: {  	_ =	shalt  }
0x3f: {  	_ =	shalt  }
0x40: {  	_ =	shalt  }
0x41: {  	_ =	shalt  }
0x42: {  	_ =	shalt  }
0x43: {  	_ =	shalt  }
0x44: {  	_ =	shalt  }
0x45: {  	_ =	shalt  }
0x46: {  	_ =	shalt  }
0x47: {  	_ =	shalt  }
0x48: {  	_ =	shalt  }
0x49: {  	_ =	shalt  }
0x4a: {  	_ =	shalt  }
0x4b: {  	_ =	shalt  }
0x4c: {  	_ =	shalt  }
0x4d: {  	_ =	shalt  }
0x4e: {  	_ =	shalt  }
0x4f: {  	_ =	shalt  }
0x50: {  	_ =	shalt  }
0x51: {  	_ =	shalt  }
0x52: {  	_ =	shalt  }
0x53: {  	_ =	shalt  }
0x54: {  	_ =	shalt  }
0x55: {  	_ =	shalt  }
0x56: {  	_ =	shalt  }
0x57: {  	_ =	shalt  }
0x58: {  	_ =	shalt  }
0x59: {  	_ =	shalt  }
0x5a: {  	_ =	shalt  }
0x5b: {  	_ =	shalt  }
0x5c: {  	_ =	shalt  }
0x5d: {  	_ =	shalt  }
0x5e: {  	_ =	shalt  }
0x5f: {  	_ =	shalt  }
0x60: {  	_ =	shalt  }
0x61: {  	_ =	shalt  }
0x62: {  	_ =	shalt  }
0x63: {  	_ =	shalt  }
0x64: {  	_ =	shalt  }
0x65: {  	_ =	shalt  }
0x66: {  	_ =	shalt  }
0x67: {  	_ =	shalt  }
0x68: {  	_ =	shalt  }
0x69: {  	_ =	shalt  }
0x6a: {  	_ =	shalt  }
0x6b: {  	_ =	shalt  }
0x6c: {  	_ =	shalt  }
0x6d: {  	_ =	shalt  }
0x6e: {  	_ =	shalt  }
0x6f: {  	_ =	shalt  }
0x70: {  	_ =	shalt  }
0x71: {  	_ =	shalt  }
0x72: {  	_ =	shalt  }
0x73: {  	_ =	shalt  }
0x74: {  	_ =	shalt  }
0x75: {  	_ =	shalt  }
0x76: {  	_ =	shalt  }
0x77: {  	_ =	shalt  }
0x78: {  	_ =	shalt  }
0x79: {  	_ =	shalt  }
0x7a: {  	_ =	shalt  }
0x7b: {  	_ =	shalt  }
0x7c: {  	_ =	shalt  }
0x7d: {  	_ =	shalt  }
0x7e: {  	_ =	shalt  }
0x7f: {  	_ =	shalt  }
0x80: {  	_ =	shalt  }
0x81: {  	_ =	shalt  }
0x82: {  	_ =	shalt  }
0x83: {  	_ =	shalt  }
0x84: {  	_ =	shalt  }
0x85: {  	_ =	shalt  }
0x86: {  	_ =	shalt  }
0x87: {  	_ =	shalt  }
.Lfunc_end0:
.L_simem_size_0:
called_computation_lowered:
.L_overlay_start_0:
0x88: {  	s2 =	sld [smem:$0x3FD9]  }
0x89: {  	s3 =	sld [smem:$0x3FFE];
	_ =	sdelay $0x1  }
0x8a: {  	s1 =	srdreg.scid  }
0x8b: {  	s0 =	sand.u32 $0x1, s1  }
0x8c: {  	s14 =	sshll.u32 s0, $0xA;
	s2 =	sadd.s32 s3, s2  }
0x8d: {  	s2 =	sadd.s32 s2, s14  }
0x8e: {  	[smem:$0x3FC5] =	sst s2  }
0x8f: {  	_ = 	snop  }
0x90: {  	s2 =	sld [smem:$0x3FD0];
	_ =	sdelay $0x1  }
0x91: {  	s15 =	sld [smem:$0x3FC9]  }
0x92: {  	s5 =	simm.s32 $0xA;
	s6 =	simm.s32 $0x10;
	s4 =	sld [smem:$0x3FC7]  }
0x93: {  	[smem:s6], [sflag:s5] =	dma.local [hbm:s2], $0x1  }
0x94: {  	_ =	swait.eq [sflag:s5], $0x1  }
0x95: {  	[sflag:s5] =	ssyncset.done $0x0  }
0x96: {  	s16 =	sld [smem:$0x10];
	[sflag:s5] =	ssyncadd.s32 $0xFFFFFFFF  }
0x97: {  	s17 =	sld [smem:$0x11];
	(tm) =	ssettm $0x1  }
0x98: {  	s18 =	sld [smem:$0x3FFB];
	_ =	sdelay $0x3  }
0x99: {  	_ =	strace s18  }
0x9a: {  	s6 =	sld [smem:$0x3FFC];
	_ =	sdelay $0x3  }
0x9b: {  	_ =	strace s6  }
0x9c: {  	s6 =	sld [smem:$0x3FFD];
	_ =	sdelay $0x3  }
0x9d: {  	_ =	strace s6  }
0x9e: {  	_ =	strace $0x8FFFFFFF  }
0x9f: {  	s19 =	sld [smem:$0x3FDB];
	_ =	sdelay $0x1  }
0xa0: {  	s7 =	simm.s32 $_scs_section_size  }
0xa1: {  	s8 =	simm.s32 $_size__tile_overlayer_lowered;
	s9 =	simm.s32 $_tile_overlayer_lowered  }
0xa2: {  	s22 =	simm.s32 $0x1BFF;
	s21 =	sshll.u32 s9, $0x1;
	s6 =	sadd.s32 s7, s19  }
0xa3: {  	s10 =	simm.s32 $0x0;
	s20 =	sshll.u32 s8, $0x1;
	s8 =	sadd.s32 s21, s6  }
0xa4: {  	[timem:s10], [sflag:s22] =	dma.local [hbm:s8], s20  }
0xa5: {  	_ =	swait.ge [sflag:s22], s20  }
0xa6: {  	s7 =	ssub.s32 $0x0, s20;
	[sflag:s22] =	ssyncset.done $0x0  }
0xa7: {  	[sflag:s22] =	ssyncadd.s32 s7;
	_ =	sdelay $0x1  }
0xa8: {  	s23 =	simm.s32 $0x1B8B  }
0xa9: {  	_ =	swait.ge [sflag:s23], $0x1  }
0xaa: {  	[sflag:s23] =	ssyncset.done $0x0  }
0xab: {  	s25 =	simm.s32 $0x1B8E;
	s24 =	sld [smem:$0x3FFE];
	[sflag:s23] =	ssyncadd.s32 $0xFFFFFFFF  }
0xac: {  	s26 =	simm.s32 $execute0_lowered;
	[smem:$0x3FD2] =	sst s25  }
0xad: {  	s8 =	sshll.u32 s26, $0x1;
	_ =	strace $0x80000046;
	[dreg:$0x1] =	wrdreg $0xFFFFFFFF  }
0xae: {  	s28 =	simm.s32 $_size_execute0_lowered;
	s6 =	sadd.s32 s6, s8;
	[dreg:$0x0] =	wrdreg $0x0  }
0xaf: {  	s8 =	sshll.u32 s28, $0x1;
	[dreg:$0x2] =	wrdreg s6  }
0xb0: {  	[dreg:$0x3] =	wrdreg s8  }
0xb1: {  	[dreg:$0x4] =	wrdreg $0xC0  }
0xb2: {  	_ =	task [dreg:s10], $0x5FFFF  }
0xb3: {  	[dreg:$0x1] =	wrdreg $0xFFFFFFFF  }
0xb4: {  	[dreg:$0x0] =	wrdreg $0x60  }
0xb5: {  	[dreg:$0x2] =	wrdreg s15  }
0xb6: {  	[dreg:$0x3] =	wrdreg s24  }
0xb7: {  	[dreg:$0x4] =	wrdreg s4  }
0xb8: {  	[dreg:$0x5] =	wrdreg s16  }
0xb9: {  	[dreg:$0x6] =	wrdreg s17  }
0xba: {  	[dreg:$0x7] =	wrdreg $0x9  }
0xbb: {  	_ =	task.clear_ibuf [dreg:s10], $0x8FFFF;
	_ =	strace $0x90000046  }
0xbc: {  	s29 =	simm.s32 $0x9;
	_ =	strace $0x80000048  }
0xbd: {  	_ =	swait.ge [sflag:s29], $0x1  }
0xbe: {  	[sflag:s29] =	ssyncadd.s32 $0xFFFFFFFF  }
0xbf: {  	_ =	strace $0x90000048  }
0xc0: {  	_ =	sfence  }
0xc1: {  	s30 =	sld [smem:$0x0];
	_ =	sdelay $0x2  }
0xc2: {  	s31 =	sshll.u32 s1, $0xD;
	s1 =	sshrl.u32 s1, $0x2  }
0xc3: {  	s3 =	sand.u32 $0x4000, s31;
	s1 =	sadd.s32 s1, s30  }
0xc4: {  	s0 =	sor.u32 s3, s0;
	s1 =	sshll.u32 s1, $0x11  }
0xc5: {  	s0 =	sor.u32 s1, s0  }
0xc6: {  	s0 =	sadd.s32 $0x8F2B, s0  }
0xc7: {  	[sflag:s0] =	ssyncadd.remote.s32 $0x1  }
0xc8: {  	_ =	sfence.sel $0xFFFF  }
0xc9: {  	[dreg:$0x0] =	wrdreg $0xFFFFFFFF;
	(pc) =	sbr.abs _section_cstart, $3  }
0xca: {  	[dreg:$0x1] =	wrdreg $0xFFFFFFFF  }
0xcb: {  	_ =	task.clear_ibuf [dreg:s10], $0x2FFFF;
	_ =	strace $0x9FFFFFFF  }
0xcc: {  	(tm) =	ssettm $0x7FFFFFFF  }
0xcd: {  	_ =	shalt  }
tec
execute0_lowered:
.L_overlay_start_1:
0x0: {  	(tag) =	ssettag $0x1  }
0x1: {  	s1 =	rddreg [dreg:$0x0]  }
0x2: {  	s4 =	rddreg [dreg:$0x1]  }
0x3: {  	s5 =	rddreg [dreg:$0x2]  }
0x4: {  	s8 =	rddreg [dreg:$0x3]  }
0x5: {  	s6 =	rddreg [dreg:$0x4]  }
0x6: {  	s0 =	rddreg [dreg:$0x5];
	s3 =	simm.s32 $0x0  }
0x7: {  	s2 =	stileid.u32;
	s7 =	srdreg.scid;
	s16 =	simm.s32 $0x1  }
0x8: {  	s17 =	simm.s32 $0x80;
	s18 =	simm.s32 $0x100;
	s19 =	simm.s32 $0x180  }
0x9: {  	s20 =	simm.s32 $0x200;
	s21 =	simm.s32 $0x2400;
	s22 =	simm.s32 $0x4C00  }
0xa: {  	s23 =	simm.s32 $0x0;
	[smem:$0x7FF] =	sst s3;
	s9 =	sshll.u32 s2, $0x7  }
0xb: {  	s7 =	sand.u32 $0x1, s7;
	s14 =	smul.u32 $0x2800, s2;
	_ =	strace $0x80000047  }
0xc: {  	s4 =	sadd.s32 s9, s4;
	s10 =	ssub.s32 $0x2, s7;
	s11 =	sshll.u32 s7, $0x4  }
0xd: {  	s13 =	smul.u32 $0x28000, s7;
	s7 =	sshll.u32 s7, $0xB;
	s9 =	sand.u32 $0x380, s9  }
0xe: {  	s12 =	sshrl.u32 s10, $0x1;
	s11 =	sor.u32 s2, s11;
	s4 =	sadd.s32 s7, s4  }
0xf: {  	s15 =	sshrl.u32 s11, $0x3;
	s10 =	ssub.s32 s10, s12;
	s11 =	smul.u32 $0xA000, s11  }
0x10: {  	s30 =	sadd.s32 s14, s13;
	s4 =	sadd.s32 $0x600, s4;
	s29 =	smul.u32 $0x14000, s15  }
0x11: {  	s13 =	simm.s32 $0x2;
	s14 =	simm.s32 $0x40;
	s12 =	sshrl.u32 s30, $0x3  }
0x12: {  	s15 =	simm.s32 $0x400;
	s31 =	sshrl.u32 s11, $0x3;
	s7 =	sor.u32 s9, s29  }
0x13: {  	s5 =	sadd.s32 s5, s12;
	s8 =	sadd.s32 s8, s31;
	s7 =	sshrl.u32 s7, $0x3  }
0x14: {  	s9 =	sadd.s32 $0x400, s8;
	s11 =	sadd.s32 $0xC00, s8;
	s12 =	sadd.s32 $0x1000, s8  }
0x15: {  	v0 =	vimm.f32 $0.0e+00;
	v1 =	vimm.f32 $1.000000000e+00;
	s6 =	sadd.s32 s6, s7;
	s7 =	smax.u32 s10, $0x1;
	s10 =	sadd.s32 $0x800, s8  }
.LBB2_1:
0x16: {  	[tilespmem:s3], [sflag:$0x2] =	stream.linear.gather [hbm4b:s4+s3], $0x280, $0x38;
	[tilespmem:$0x7400] =	vst v63  }
0x17: {  	_ =	swait.ge [sflag:s13], $0x280  }
0x18: {  	[sflag:s13] =	ssyncset.done $0x0  }
0x19: {  	[sflag:s13] =	ssyncadd.s32 $0xFFFFFD80  }
0x1a: {  	[tilespmem:s15], [sflag:$0x1] =	stream.indirect.gather [hbm4b:s1+s14], $0x80, s3, s14, $0xb8;
	[tilespmem:$0x7400] =	vst v63  }
0x1b: {  	_ =	swait.ge [sflag:s16], $0x2000  }
0x1c: {  	[sflag:s16] =	ssyncset.done $0x0  }
0x1d: {  	[sflag:s16] =	ssyncadd.s32 $0xFFFFE000  }
0x1e: {  	[hbm4b:s8+s3] =	stream.linear.scatter [tilespmem:s15], [sflag:$0x2], $0x2000, $0x38;
	[tilespmem:$0x7400] =	vst v63  }
0x1f: {  	_ =	swait.ge [sflag:s13], $0x2000  }
0x20: {  	[sflag:s13] =	ssyncset.done $0x0  }
0x21: {  	[sflag:s13] =	ssyncadd.s32 $0xFFFFE000  }
0x22: {  	[tilespmem:s15], [sflag:$0x1] =	stream.indirect.gather [hbm4b:s1+s14], $0x80, s17, s14, $0xb8;
	[tilespmem:$0x7400] =	vst v63  }
0x23: {  	_ =	swait.ge [sflag:s16], $0x2000  }
0x24: {  	[sflag:s16] =	ssyncset.done $0x0  }
0x25: {  	[sflag:s16] =	ssyncadd.s32 $0xFFFFE000  }
0x26: {  	[hbm4b:s9+s3] =	stream.linear.scatter [tilespmem:s15], [sflag:$0x2], $0x2000, $0x38;
	[tilespmem:$0x7400] =	vst v63  }
0x27: {  	_ =	swait.ge [sflag:s13], $0x2000  }
0x28: {  	[sflag:s13] =	ssyncset.done $0x0  }
0x29: {  	[sflag:s13] =	ssyncadd.s32 $0xFFFFE000  }
0x2a: {  	[tilespmem:s15], [sflag:$0x1] =	stream.indirect.gather [hbm4b:s1+s14], $0x80, s18, s14, $0xb8;
	[tilespmem:$0x7400] =	vst v63  }
0x2b: {  	_ =	swait.ge [sflag:s16], $0x2000  }
0x2c: {  	[sflag:s16] =	ssyncset.done $0x0  }
0x2d: {  	[sflag:s16] =	ssyncadd.s32 $0xFFFFE000  }
0x2e: {  	[hbm4b:s10+s3] =	stream.linear.scatter [tilespmem:s15], [sflag:$0x2], $0x2000, $0x38;
	[tilespmem:$0x7400] =	vst v63  }
0x2f: {  	_ =	swait.ge [sflag:s13], $0x2000  }
0x30: {  	[sflag:s13] =	ssyncset.done $0x0  }
0x31: {  	[sflag:s13] =	ssyncadd.s32 $0xFFFFE000  }
0x32: {  	[tilespmem:s15], [sflag:$0x1] =	stream.indirect.gather [hbm4b:s1+s14], $0x80, s19, s14, $0xb8;
	[tilespmem:$0x7400] =	vst v63  }
0x33: {  	_ =	swait.ge [sflag:s16], $0x2000  }
0x34: {  	[sflag:s16] =	ssyncset.done $0x0  }
0x35: {  	[sflag:s16] =	ssyncadd.s32 $0xFFFFE000  }
0x36: {  	[hbm4b:s11+s3] =	stream.linear.scatter [tilespmem:s15], [sflag:$0x2], $0x2000, $0x38;
	[tilespmem:$0x7400] =	vst v63  }
0x37: {  	_ =	swait.ge [sflag:s13], $0x2000  }
0x38: {  	[sflag:s13] =	ssyncset.done $0x0  }
0x39: {  	[sflag:s13] =	ssyncadd.s32 $0xFFFFE000  }
0x3a: {  	[tilespmem:s15], [sflag:$0x1] =	stream.indirect.gather [hbm4b:s1+s14], $0x80, s20, s14, $0xb8;
	[tilespmem:$0x7400] =	vst v63  }
0x3b: {  	_ =	swait.ge [sflag:s16], $0x2000  }
0x3c: {  	[sflag:s16] =	ssyncset.done $0x0  }
0x3d: {  	[sflag:s16] =	ssyncadd.s32 $0xFFFFE000  }
0x3e: {  	[hbm4b:s12+s3] =	stream.linear.scatter [tilespmem:s15], [sflag:$0x2], $0x2000, $0x38;
	[tilespmem:$0x7400] =	vst v63  }
0x3f: {  	_ =	swait.ge [sflag:s13], $0x2000  }
0x40: {  	[sflag:s13] =	ssyncset.done $0x0  }
0x41: {  	s24 =	simm.s32 $0x40;
	s25 =	simm.s32 $0x0;
	[sflag:s13] =	ssyncadd.s32 $0xFFFFE000  }
.LBB2_2:
0x42: {  	p0 =	sne.s32 s24, $0x9FC0;
	[tilespmem:s25+$0x4C00] =	vst v0;
	s25 =	smov.u32 s24;
	s24 =	sadd.s32 $0x40, s24  }
.Ltmp0:
0x43: {  	(pc) =	sbr.rel @p0 .LBB2_2-.Ltmp0, $2  }
0x44: {  	_ =	sdelay $0x2  }
0x45: {  	s25 =	sshra.s32 s25, $0x2  }
0x46: {  	[tilespmem:s25+$0x4C00] =	vst v0;
	s24 =	simm.s32 $0x0  }
0x47: {  	[tilespmem:s21], [sflag:$0x2] =	stream.linear.gather [hbm4b:s5+s24], $0x2800, $0x38;
	[tilespmem:$0x7400] =	vst v63  }
0x48: {  	_ =	swait.ge [sflag:s13], $0x2800  }
0x49: {  	[sflag:s13] =	ssyncset.done $0x0  }
0x4a: {  	[sflag:s13] =	ssyncadd.s32 $0xFFFFD800  }
.LBB2_4:
0x4b: {  	s25 =	sshra.s32 s24, $0x2  }
0x4c: {  	v2 =	vld [tilespmem:s25+$0x2400];
	_ =	sdelay $0x7  }
0x4d: {  	[tilespmem:v2+s22+$0x0] =	vst.idx.add.f32.msk $0xffff, v1  }
0x4e: {  	v2 =	vld [tilespmem:s25+$0x2410];
	_ =	sdelay $0x7  }
0x4f: {  	[tilespmem:v2+s22+$0x0] =	vst.idx.add.f32.msk $0xffff, v1  }
0x50: {  	v2 =	vld [tilespmem:s25+$0x2420];
	_ =	sdelay $0x7  }
0x51: {  	[tilespmem:v2+s22+$0x0] =	vst.idx.add.f32.msk $0xffff, v1  }
0x52: {  	v2 =	vld [tilespmem:s25+$0x2430];
	_ =	sdelay $0x7  }
0x53: {  	[tilespmem:v2+s22+$0x0] =	vst.idx.add.f32.msk $0xffff, v1  }
0x54: {  	v2 =	vld [tilespmem:s25+$0x2440];
	_ =	sdelay $0x7  }
0x55: {  	[tilespmem:v2+s22+$0x0] =	vst.idx.add.f32.msk $0xffff, v1  }
0x56: {  	v2 =	vld [tilespmem:s25+$0x2450];
	_ =	sdelay $0x7  }
0x57: {  	[tilespmem:v2+s22+$0x0] =	vst.idx.add.f32.msk $0xffff, v1  }
0x58: {  	v2 =	vld [tilespmem:s25+$0x2460];
	_ =	sdelay $0x7  }
0x59: {  	[tilespmem:v2+s22+$0x0] =	vst.idx.add.f32.msk $0xffff, v1  }
0x5a: {  	v2 =	vld [tilespmem:s25+$0x2470];
	_ =	sdelay $0x2  }
0x5b: {  	p0 =	sne.s32 s24, $0x9E00  }
.Ltmp1:
0x5c: {  	_ = 	snop;
	(pc) =	sbr.rel @p0 .LBB2_4-.Ltmp1, $2  }
0x5d: {  	_ =	sdelay $0x2  }
0x5e: {  	s24 =	sadd.s32 $0x200, s24;
	[tilespmem:v2+s22+$0x0] =	vst.idx.add.f32.msk $0xffff, v1  }
0x5f: {  	s23 =	sadd.s32 $0x1, s23  }
0x60: {  	p0 =	sne.s32 s23, s7  }
.Ltmp2:
0x61: {  	_ = 	snop;
	(pc) =	sbr.rel @p0 .LBB2_1-.Ltmp2, $4  }
0x62: {  	[hbm4b:s6+s17] =	stream.strided.scatter [tilespmem:s22], [sflag:$0x2], $0x2800, s15, s17, $0x38;
	[tilespmem:$0x7400] =	vst v63  }
0x63: {  	_ =	swait.ge [sflag:s13], $0x2800  }
0x64: {  	[sflag:s13] =	ssyncset.done $0x0  }
0x65: {  	[sflag:s13] =	ssyncadd.s32 $0xFFFFD800  }
0x66: {  	_ =	sfence.sel $0x180000  }
0x67: {  	[bflag:$0x0] =	sbarrier.arrive $0xFFFF  }
0x68: {  	p0 =	sne.s32 s2, $0x0;
	_ =	strace $0x90000047  }
0x69: {  	s0 =	sadd.s32 @!p0 $0x100000, s0;
	[bflag:$0x2] =	sbarrier.arrive $0xFFFF  }
0x6a: {  	[sflag:s0] =	ssyncadd.tile.s32 @!p0 $0x1;
	_ =	shalt  }
.Lfunc_end2:
_tile_overlayer_lowered:
.L_overlay_start_2:
0x6b: {  	(tag) =	ssettag $0x2  }
0x6c: {  	s0 =	rddreg [dreg:$0x0];
	s2 =	stileid.u32  }
0x6d: {  	s1 =	rddreg [dreg:$0x1];
	p0 =	sne.s32 s2, $0x0  }
0x6e: {  	s3 =	rddreg [dreg:$0x2];
	[bflag:$0x3] =	sbarrier.arrive $0xFFFF;
	s2 =	simm.s32 @!p0 $0x1C02  }
0x6f: {  	[timem:s3], [sflag:s2] =	dma.local @!p0 [hbm:s0], s1  }
0x70: {  	s0 =	simm.s32 @!p0 $0x2  }
0x71: {  	_ =	swait.ge @!p0 [sflag:s0], s1  }
0x72: {  	s1 =	ssub.s32 @!p0 $0x0, s1;
	[sflag:s0] =	ssyncset.done @!p0 $0x0  }
0x73: {  	[sflag:s0] =	ssyncadd.s32 @!p0 s1  }
0x74: {  	[bflag:$0x3] =	sbarrier.arrive $0xFFFF  }
0x75: {  	_ =	shalt  }

</sc_bundles>
